<compile_context>
chip_gen: v7x
topology: tpu7x:2x2x1
jax: 0.10.2.dev20260603
libtpu: 0.0.44.dev20260713+nightly
codegen_flags: <defaults>
</compile_context>

<pallas_src>
import jax
import jax.numpy as jnp
from jax import lax
from jax.experimental import pallas as pl
from jax.experimental.pallas import tpu as pltpu

_F32 = jnp.float32
_HI = lax.Precision.HIGHEST


def _side_encoder_kernel(
    x_ref,
    pok_t, pok_w, pok_b,
    ab_t, ab_w, ab_b,
    it_t, it_w, it_b,
    mv_t, mv_w, mv_b, lm_w, lm_b,
    act_t, fnt_t, gen_t,
    st_w, st_b,
    frm_t, lvl_t,
    stat_w, stat_b,
    tera_t, ttype_t,
    ln_g, ln_b, enc_w, enc_b,
    emb_out, mask_out, moves_out,
    g_ref, gm_ref,
):
    @pl.when(pl.program_id(0) == 0)
    def _init_basis():
        P = jnp.dot(pok_t[1:3, :], pok_w[...], preferred_element_type=_F32,
                    precision=_HI)
        name0 = P[0:1] + pok_b[...]
        d_name = P[1:2] - P[0:1]

        AB = jnp.dot(ab_t[1:3, :], ab_w[...], preferred_element_type=_F32,
                     precision=_HI)
        ab0 = AB[0:1] + ab_b[...]
        d_ab = AB[1:2] - AB[0:1]

        IT = jnp.dot(it_t[1:3, :], it_w[0:64, :], preferred_element_type=_F32,
                     precision=_HI)
        item0 = IT[0:1] + it_w[64:65, :] + it_b[...]
        d_item = IT[1:2] - IT[0:1]
        d_eff = it_w[65:66, :] - it_w[64:65, :]

        MV = jnp.dot(mv_t[1:3, :], mv_w[...], preferred_element_type=_F32,
                     precision=_HI)
        m0 = MV[0:1] + mv_b[...]
        dm = MV[1:2] - MV[0:1]

        LM = jnp.dot(mv_t[1:3, :], lm_w[...], preferred_element_type=_F32,
                     precision=_HI)
        lm0 = LM[0:1] + lm_b[...]
        d_lm = LM[1:2] - LM[0:1]

        sw = st_w
        status0 = sw[0:1, :] + sw[7:8, :] + sw[10:11, :] + st_b[...]
        d_status = sw[1:2, :] - sw[0:1, :]
        d_sleep = sw[8:9, :] - sw[7:8, :]

        stw = stat_w
        S0 = (stw[0:1, :] + stw[27:28, :] + stw[55:56, :] + stw[62:63, :]
              + stw[69:70, :] + stw[76:77, :] + stw[83:84, :] + stat_b[...])
        s_hp = stw[54:55, :]

        d_frm = frm_t[2:3, :] - frm_t[1:2, :]
        d_act = act_t[2:3, :] - act_t[1:2, :]
        d_fnt = fnt_t[2:3, :] - fnt_t[1:2, :]
        d_gen = gen_t[2:3, :] - gen_t[1:2, :]
        d_lvl = lvl_t[2:3, :] - lvl_t[1:2, :]
        d_tt = ttype_t[2:3, :] - ttype_t[1:2, :]

        C = (name0 + frm_t[1:2, :] + S0 + fnt_t[1:2, :] + act_t[1:2, :]
             + gen_t[1:2, :] + lvl_t[1:2, :] + ab0 + item0 + status0 + lm0
             + ttype_t[1:2, :] + tera_t[1:2, :] + m0)

        z = jnp.zeros_like(d_name)
        g_ref[...] = jnp.concatenate([
            d_name, d_frm, z, z, z, s_hp, z, z,
            z, z, z, d_fnt, d_act, d_lvl, d_gen, d_ab,
            z, d_item, z, d_eff, z, d_status, d_sleep, z,
            d_lm, z, z, z, z, z, d_tt, z,
            C, ab0, d_ab, item0, d_item, d_eff,
            jnp.maximum(dm, 0.0), jnp.minimum(dm, 0.0),
            z, z, z, z, z, z, z, z,
        ], axis=0)

        z512 = jnp.concatenate([z, z, z, z], axis=1)
        m0_4 = jnp.concatenate([m0, m0, m0, m0], axis=1)
        gm_ref[...] = jnp.concatenate([
            m0_4,
            jnp.concatenate([dm, z, z, z], axis=1),
            jnp.concatenate([z, dm, z, z], axis=1),
            jnp.concatenate([z, z, dm, z], axis=1),
            jnp.concatenate([z, z, z, dm], axis=1),
            z512, z512, z512,
        ], axis=0)

    x = x_ref[...]
    blk = x.shape[0]

    ones = jnp.ones((blk, 1), _F32)
    x15 = x[:, 15:16]
    x16 = x[:, 16:17]
    x17 = x[:, 17:18]
    x18 = x[:, 18:19]
    x20 = x[:, 20:21]
    g = x15 + x16 - 2.0 * x15 * x16
    h = x17 + x18 - 2.0 * x17 * x18
    xm = x[:, 25:29]
    any_m = xm.max(axis=1, keepdims=True)
    all_m = xm.min(axis=1, keepdims=True)

    F = jnp.concatenate([
        x, ones, g, g * x16, h, x18 - x17 * x18, h * x20, any_m, all_m,
        jnp.zeros((blk, 8), _F32),
    ], axis=1)

    E = jnp.dot(F, g_ref[...], preferred_element_type=_F32, precision=_HI)

    hh = jnp.maximum(E, 0.0)
    mu = hh.mean(axis=-1, keepdims=True)
    cent = hh - mu
    var = (cent * cent).mean(axis=-1, keepdims=True)
    hh = cent * lax.rsqrt(var + 1e-5) * ln_g[...] + ln_b[...]
    emb_out[...] = jnp.dot(hh, enc_w[...], preferred_element_type=_F32,
                           precision=_HI) + enc_b[...]

    mask_out[...] = x[:, 11:12]

    Fm = jnp.concatenate([ones, xm, jnp.zeros((blk, 3), _F32)], axis=1)
    moves_out[...] = jnp.dot(Fm, gm_ref[...], preferred_element_type=_F32,
                             precision=_HI)


def kernel(x, params):
    B, S, F = x.shape
    rows = B * S
    xf = x.reshape(rows, F)
    p = params

    blk = 2048
    while rows % blk:
        blk //= 2
    grid = rows // blk

    def r2(v):
        return v.reshape(1, -1)

    operands = [
        xf,
        p["pokedex_table"], p["pokedex_w"], r2(p["pokedex_b"]),
        p["ability_table"], p["ability_w"], r2(p["ability_b"]),
        p["item_table"], p["item_w"], r2(p["item_b"]),
        p["move_table"], p["move_w"], r2(p["move_b"]),
        p["last_move_w"], r2(p["last_move_b"]),
        p["active_table"], p["fainted_table"], p["gender_table"],
        p["status_w"], r2(p["status_b"]),
        p["forme_table"], p["level_table"],
        p["stat_w"], r2(p["stat_b"]),
        p["tera_table"], p["teratype_table"],
        r2(p["ln_g"]), r2(p["ln_b"]), p["enc_w"], r2(p["enc_b"]),
    ]

    def full(a):
        return pl.BlockSpec(a.shape, lambda i: (0,) * a.ndim)

    in_specs = [pl.BlockSpec((blk, F), lambda i: (i, 0))]
    in_specs += [full(a) for a in operands[1:]]

    out_shapes = (
        jax.ShapeDtypeStruct((rows, 128), _F32),
        jax.ShapeDtypeStruct((rows, 1), _F32),
        jax.ShapeDtypeStruct((rows, 512), _F32),
    )
    out_specs = (
        pl.BlockSpec((blk, 128), lambda i: (i, 0)),
        pl.BlockSpec((blk, 1), lambda i: (i, 0)),
        pl.BlockSpec((blk, 512), lambda i: (i, 0)),
    )

    emb, mask, moves = pl.pallas_call(
        _side_encoder_kernel,
        grid=(grid,),
        in_specs=in_specs,
        out_specs=out_specs,
        out_shape=out_shapes,
        scratch_shapes=[
            pltpu.VMEM((48, 128), _F32),
            pltpu.VMEM((8, 512), _F32),
        ],
    )(*operands)

    return (emb.reshape(B, S, 128),
            mask.reshape(B, S) != 0.0,
            moves.reshape(B, S, 4, 128))

# --- scband reference (transcript-rebuilt; emitter-appended) ---
"""Pipeline reference for scband-side-encoder-12128987644438 (READ-ONLY COPY).

The authoritative reference and input builder live on the scoring server;
editing this copy changes nothing except your own understanding.
"""

import jax, jax.numpy as jnp
import numpy as np

D = 128
POKEDEX_N, POKEDEX_D = 1280, 128
AB_N, AB_D = 360, 64
ITEM_N, ITEM_D = 1000, 64
MOVE_N, MOVE_D = 950, 128
N_ITEM_EFFECTS = 16
N_STATUS = 7
N_FORMES = 64
N_TYPES = 19


def sqrt_one_hot_matrix(n):
    idx = np.floor(np.sqrt(np.arange(n))).astype(np.int64)
    m = np.zeros((n, int(idx.max()) + 1), dtype=np.float32)
    m[np.arange(n), idx] = 1.0
    return jnp.asarray(m)


def power_one_hot_matrix(n, p):
    idx = np.floor(np.arange(n).astype(np.float64) ** p).astype(np.int64)
    m = np.zeros((n, int(idx.max()) + 1), dtype=np.float32)
    m[np.arange(n), idx] = 1.0
    return jnp.asarray(m)


ITEM_EFFECT_OH = jnp.eye(N_ITEM_EFFECTS + 1, dtype=jnp.float32)[:, 1:]
STATUS_OH = jnp.eye(N_STATUS + 1, dtype=jnp.float32)[:, 1:]
SLEEP_OH = jnp.eye(4, dtype=jnp.float32)[:, 1:]
TOXIC_OH = sqrt_one_hot_matrix(16)[:, 1:]
HP_OH = sqrt_one_hot_matrix(768)[:, 1:]
STAT_OH = power_one_hot_matrix(512, 1.0 / 3.0)[:, 1:]


def setup_inputs(seed: int = 0) -> dict:
    key = jax.random.key(seed)
    ks = jax.random.split(key, 24)
    def nrm(k, shape, s=0.02):
        return jax.random.normal(k, shape, dtype=jnp.float32) * s
    x = jax.random.randint(ks[0], (16384, 12, 32), 0, 2).astype(jnp.float32)
    params = {
        "pokedex_table": nrm(ks[1], (POKEDEX_N, POKEDEX_D)),
        "pokedex_w": nrm(ks[2], (POKEDEX_D, D)), "pokedex_b": jnp.zeros((D,), jnp.float32),
        "ability_table": nrm(ks[3], (AB_N, AB_D)),
        "ability_w": nrm(ks[4], (AB_D, D)), "ability_b": jnp.zeros((D,), jnp.float32),
        "item_table": nrm(ks[5], (ITEM_N, ITEM_D)),
        "item_w": nrm(ks[6], (ITEM_D + N_ITEM_EFFECTS, D)), "item_b": jnp.zeros((D,), jnp.float32),
        "move_table": nrm(ks[7], (MOVE_N, MOVE_D)),
        "move_w": nrm(ks[8], (MOVE_D, D)), "move_b": jnp.zeros((D,), jnp.float32),
        "last_move_w": nrm(ks[9], (MOVE_D, D)), "last_move_b": jnp.zeros((D,), jnp.float32),
        "active_table": nrm(ks[10], (3, D)),
        "fainted_table": nrm(ks[11], (3, D)),
        "gender_table": nrm(ks[12], (4, D)),
        "status_w": nrm(ks[13], (N_STATUS + 3 + 3, D)), "status_b": jnp.zeros((D,), jnp.float32),
        "forme_table": nrm(ks[14], (N_FORMES + 1, D)),
        "level_table": nrm(ks[15], (102, D)),
        "stat_w": nrm(ks[16], (2 * HP_OH.shape[1] + 1 + 5 * STAT_OH.shape[1], D)), "stat_b": jnp.zeros((D,), jnp.float32),
        "tera_table": nrm(ks[17], (2, D)),
        "teratype_table": nrm(ks[18], (N_TYPES + 1, D)).at[0].set(0.0),
        "ln_g": jnp.ones((D,), jnp.float32), "ln_b": jnp.zeros((D,), jnp.float32),
        "enc_w": nrm(ks[19], (D, D)), "enc_b": jnp.zeros((D,), jnp.float32),
    }
    return {"x": x, "params": params}


def layer_norm(h, g, b):
    mu = h.mean(-1, keepdims=True)
    var = ((h - mu) ** 2).mean(-1, keepdims=True)
    return (h - mu) / jnp.sqrt(var + 1e-5) * g + b


def _forward(x, p):
    longs = (x + 1.0).astype(jnp.int32)
    name = longs[..., 0]; forme = longs[..., 1]
    hp = longs[..., 3]; maxhp = longs[..., 4]
    hp_ratio = x[..., 5]
    stats = longs[..., 6:11]
    fainted = longs[..., 11]; active = longs[..., 12]
    level = longs[..., 13]; gender = longs[..., 14]
    ability = longs[..., 15]; base_ability = longs[..., 16]
    item = longs[..., 17]; prev_item = longs[..., 18]
    item_effect = longs[..., 19]; prev_item_effect = longs[..., 20]
    status = longs[..., 21]; sleep_turns = longs[..., 22]; toxic_turns = longs[..., 23]
    last_move = longs[..., 24]; moves = longs[..., 25:29]
    terastallized = longs[..., 29]; teratype = longs[..., 30]

    name_emb = jnp.take(p["pokedex_table"], name, axis=0) @ p["pokedex_w"] + p["pokedex_b"]
    forme_emb = jnp.take(p["forme_table"], forme, axis=0)
    hp_emb = jnp.take(HP_OH, hp, axis=0)
    maxhp_emb = jnp.take(HP_OH, maxhp, axis=0)
    stat_onehot = jnp.take(STAT_OH, stats, axis=0).reshape(stats.shape[:-1] + (-1,))
    stat_emb = jnp.concatenate([hp_emb, maxhp_emb, hp_ratio[..., None], stat_onehot], -1) @ p["stat_w"] + p["stat_b"]
    active_emb = jnp.take(p["active_table"], active, axis=0)
    fainted_emb = jnp.take(p["fainted_table"], fainted, axis=0)
    gender_emb = jnp.take(p["gender_table"], gender, axis=0)
    level_emb = jnp.take(p["level_table"], level, axis=0)
    ability_emb = jnp.take(p["ability_table"], ability, axis=0) @ p["ability_w"] + p["ability_b"]
    base_ability_emb = jnp.take(p["ability_table"], base_ability, axis=0) @ p["ability_w"] + p["ability_b"]
    base_ability_emb = base_ability_emb * (ability != base_ability)[..., None].astype(jnp.float32)

    def embed_item(it, eff):
        cat = jnp.concatenate([jnp.take(p["item_table"], it, axis=0), jnp.take(ITEM_EFFECT_OH, eff, axis=0)], -1)
        return cat @ p["item_w"] + p["item_b"]

    item_emb = embed_item(item, item_effect)
    prev_item_emb = embed_item(prev_item, prev_item_effect) * (item != prev_item)[..., None].astype(jnp.float32)
    status_emb = jnp.concatenate([
        jnp.take(STATUS_OH, status, axis=0),
        jnp.take(SLEEP_OH, sleep_turns, axis=0),
        jnp.take(TOXIC_OH, toxic_turns, axis=0)], -1) @ p["status_w"] + p["status_b"]
    moves_emb = jnp.take(p["move_table"], moves, axis=0) @ p["move_w"] + p["move_b"]
    moveset_emb = moves_emb.max(-2)
    last_move_emb = jnp.take(p["move_table"], last_move, axis=0) @ p["last_move_w"] + p["last_move_b"]

    pokemon_emb = (name_emb + forme_emb + stat_emb + active_emb + fainted_emb + gender_emb
                   + level_emb + ability_emb + base_ability_emb + item_emb + prev_item_emb
                   + status_emb + moveset_emb + last_move_emb)
    pokemon_emb = pokemon_emb + jnp.take(p["teratype_table"], teratype, axis=0)
    pokemon_emb = pokemon_emb + jnp.take(p["tera_table"], (terastallized > 0).astype(jnp.int32), axis=0)
    mask = (name == 0) | (fainted == 2)
    h = jax.nn.relu(pokemon_emb)
    h = layer_norm(h, p["ln_g"], p["ln_b"])
    pokemon_emb = h @ p["enc_w"] + p["enc_b"]
    return pokemon_emb, mask, moves_emb


def reference(x, params):
    return _forward(x, params)

if __name__ == "__main__":
    import jax
    _d = setup_inputs()
    print(jax.jit(kernel)(*tuple(_d.values())))

</pallas_src>

<mosaic_0001>
module attributes {stable_mosaic.version = 14 : i64} {
  func.func @_side_encoder_kernel(%arg0: i32, %arg1: memref<2048x32xf32, #tpu.memory_space<vmem>>, %arg2: memref<1280x128xf32, #tpu.memory_space<vmem>>, %arg3: memref<128x128xf32, #tpu.memory_space<vmem>>, %arg4: memref<1x128xf32, #tpu.memory_space<vmem>>, %arg5: memref<360x64xf32, #tpu.memory_space<vmem>>, %arg6: memref<64x128xf32, #tpu.memory_space<vmem>>, %arg7: memref<1x128xf32, #tpu.memory_space<vmem>>, %arg8: memref<1000x64xf32, #tpu.memory_space<vmem>>, %arg9: memref<80x128xf32, #tpu.memory_space<vmem>>, %arg10: memref<1x128xf32, #tpu.memory_space<vmem>>, %arg11: memref<950x128xf32, #tpu.memory_space<vmem>>, %arg12: memref<128x128xf32, #tpu.memory_space<vmem>>, %arg13: memref<1x128xf32, #tpu.memory_space<vmem>>, %arg14: memref<128x128xf32, #tpu.memory_space<vmem>>, %arg15: memref<1x128xf32, #tpu.memory_space<vmem>>, %arg16: memref<3x128xf32, #tpu.memory_space<vmem>>, %arg17: memref<3x128xf32, #tpu.memory_space<vmem>>, %arg18: memref<4x128xf32, #tpu.memory_space<vmem>>, %arg19: memref<13x128xf32, #tpu.memory_space<vmem>>, %arg20: memref<1x128xf32, #tpu.memory_space<vmem>>, %arg21: memref<65x128xf32, #tpu.memory_space<vmem>>, %arg22: memref<102x128xf32, #tpu.memory_space<vmem>>, %arg23: memref<90x128xf32, #tpu.memory_space<vmem>>, %arg24: memref<1x128xf32, #tpu.memory_space<vmem>>, %arg25: memref<2x128xf32, #tpu.memory_space<vmem>>, %arg26: memref<20x128xf32, #tpu.memory_space<vmem>>, %arg27: memref<1x128xf32, #tpu.memory_space<vmem>>, %arg28: memref<1x128xf32, #tpu.memory_space<vmem>>, %arg29: memref<128x128xf32, #tpu.memory_space<vmem>>, %arg30: memref<1x128xf32, #tpu.memory_space<vmem>>, %arg31: memref<2048x128xf32, #tpu.memory_space<vmem>>, %arg32: memref<2048x1xf32, #tpu.memory_space<vmem>>, %arg33: memref<2048x512xf32, #tpu.memory_space<vmem>>, %arg34: memref<48x128xf32, #tpu.memory_space<vmem>>, %arg35: memref<8x512xf32, #tpu.memory_space<vmem>>) attributes {dimension_semantics = [#tpu.dimension_semantics<arbitrary>], iteration_bounds = array<i64: 96>, scalar_prefetch = 0 : i64, scratch_operands = 2 : i64, tpu.core_type = #tpu.core_type<tc>, window_params = [{transform_indices = @transform_0, window_bounds = array<i64: 2048, 32>}, {pipeline_mode = #tpu.pipeline_mode<synchronous>, transform_indices = @transform_1, window_bounds = array<i64: 1280, 128>}, {pipeline_mode = #tpu.pipeline_mode<synchronous>, transform_indices = @transform_2, window_bounds = array<i64: 128, 128>}, {pipeline_mode = #tpu.pipeline_mode<synchronous>, transform_indices = @transform_3, window_bounds = array<i64: 1, 128>}, {pipeline_mode = #tpu.pipeline_mode<synchronous>, transform_indices = @transform_4, window_bounds = array<i64: 360, 64>}, {pipeline_mode = #tpu.pipeline_mode<synchronous>, transform_indices = @transform_5, window_bounds = array<i64: 64, 128>}, {pipeline_mode = #tpu.pipeline_mode<synchronous>, transform_indices = @transform_6, window_bounds = array<i64: 1, 128>}, {pipeline_mode = #tpu.pipeline_mode<synchronous>, transform_indices = @transform_7, window_bounds = array<i64: 1000, 64>}, {pipeline_mode = #tpu.pipeline_mode<synchronous>, transform_indices = @transform_8, window_bounds = array<i64: 80, 128>}, {pipeline_mode = #tpu.pipeline_mode<synchronous>, transform_indices = @transform_9, window_bounds = array<i64: 1, 128>}, {pipeline_mode = #tpu.pipeline_mode<synchronous>, transform_indices = @transform_10, window_bounds = array<i64: 950, 128>}, {pipeline_mode = #tpu.pipeline_mode<synchronous>, transform_indices = @transform_11, window_bounds = array<i64: 128, 128>}, {pipeline_mode = #tpu.pipeline_mode<synchronous>, transform_indices = @transform_12, window_bounds = array<i64: 1, 128>}, {pipeline_mode = #tpu.pipeline_mode<synchronous>, transform_indices = @transform_13, window_bounds = array<i64: 128, 128>}, {pipeline_mode = #tpu.pipeline_mode<synchronous>, transform_indices = @transform_14, window_bounds = array<i64: 1, 128>}, {pipeline_mode = #tpu.pipeline_mode<synchronous>, transform_indices = @transform_15, window_bounds = array<i64: 3, 128>}, {pipeline_mode = #tpu.pipeline_mode<synchronous>, transform_indices = @transform_16, window_bounds = array<i64: 3, 128>}, {pipeline_mode = #tpu.pipeline_mode<synchronous>, transform_indices = @transform_17, window_bounds = array<i64: 4, 128>}, {pipeline_mode = #tpu.pipeline_mode<synchronous>, transform_indices = @transform_18, window_bounds = array<i64: 13, 128>}, {pipeline_mode = #tpu.pipeline_mode<synchronous>, transform_indices = @transform_19, window_bounds = array<i64: 1, 128>}, {pipeline_mode = #tpu.pipeline_mode<synchronous>, transform_indices = @transform_20, window_bounds = array<i64: 65, 128>}, {pipeline_mode = #tpu.pipeline_mode<synchronous>, transform_indices = @transform_21, window_bounds = array<i64: 102, 128>}, {pipeline_mode = #tpu.pipeline_mode<synchronous>, transform_indices = @transform_22, window_bounds = array<i64: 90, 128>}, {pipeline_mode = #tpu.pipeline_mode<synchronous>, transform_indices = @transform_23, window_bounds = array<i64: 1, 128>}, {pipeline_mode = #tpu.pipeline_mode<synchronous>, transform_indices = @transform_24, window_bounds = array<i64: 2, 128>}, {pipeline_mode = #tpu.pipeline_mode<synchronous>, transform_indices = @transform_25, window_bounds = array<i64: 20, 128>}, {pipeline_mode = #tpu.pipeline_mode<synchronous>, transform_indices = @transform_26, window_bounds = array<i64: 1, 128>}, {pipeline_mode = #tpu.pipeline_mode<synchronous>, transform_indices = @transform_27, window_bounds = array<i64: 1, 128>}, {pipeline_mode = #tpu.pipeline_mode<synchronous>, transform_indices = @transform_28, window_bounds = array<i64: 128, 128>}, {pipeline_mode = #tpu.pipeline_mode<synchronous>, transform_indices = @transform_29, window_bounds = array<i64: 1, 128>}, {transform_indices = @transform_30, window_bounds = array<i64: 2048, 128>}, {transform_indices = @transform_31, window_bounds = array<i64: 2048, 1>}, {transform_indices = @transform_32, window_bounds = array<i64: 2048, 512>}]} {
    %eq3A = arith.constant 0 : i32
    %eq3A_0 = arith.cmpi eq, %arg0, %eq3A : i32
    %convert_element_type3A = arith.extui %eq3A_0 : i1 to i32
    %cond3A = arith.constant 0 : i32
    %cond3A_1 = arith.cmpi ne, %convert_element_type3A, %cond3A : i32
    scf.if %cond3A_1 {
      %get3A_90 = arith.constant 1 : index
      %get3A_91 = arith.constant 0 : index
      %get3A_92 = vector.load %arg2[%get3A_90, %get3A_91] : memref<1280x128xf32, #tpu.memory_space<vmem>>, vector<2x128xf32>
      %get3A_93 = arith.constant 0 : index
      %get3A_94 = arith.constant 0 : index
      %get3A_95 = vector.load %arg3[%get3A_93, %get3A_94] : memref<128x128xf32, #tpu.memory_space<vmem>>, vector<128x128xf32>
      %dot_general3A_96 = arith.constant dense<0.000000e+00> : vector<2x128xf32>
      %dot_general3A_97 = tpu.matmul %get3A_92, %get3A_95, %dot_general3A_96 {dimension_numbers = #tpu.dot_dimension_numbers<[1], [0], [0], [1], [0, 0, 1, 1], [], []>, precision = #tpu.contract_precision<fp32>, transpose_lhs_hint = false} : vector<2x128xf32>, vector<128x128xf32>, vector<2x128xf32> -> vector<2x128xf32>
      %slice3A_98 = vector.extract_strided_slice %dot_general3A_97 {offsets = [0, 0], sizes = [1, 128], strides = [1, 1]} : vector<2x128xf32> to vector<1x128xf32>
      %get3A_99 = arith.constant 0 : index
      %get3A_100 = arith.constant 0 : index
      %get3A_101 = vector.load %arg4[%get3A_99, %get3A_100] : memref<1x128xf32, #tpu.memory_space<vmem>>, vector<1x128xf32>
      %add3A_102 = arith.addf %slice3A_98, %get3A_101 : vector<1x128xf32>
      %slice3A_103 = vector.extract_strided_slice %dot_general3A_97 {offsets = [1, 0], sizes = [1, 128], strides = [1, 1]} : vector<2x128xf32> to vector<1x128xf32>
      %slice3A_104 = vector.extract_strided_slice %dot_general3A_97 {offsets = [0, 0], sizes = [1, 128], strides = [1, 1]} : vector<2x128xf32> to vector<1x128xf32>
      %sub3A_105 = arith.subf %slice3A_103, %slice3A_104 : vector<1x128xf32>
      %get3A_106 = arith.constant 1 : index
      %get3A_107 = arith.constant 0 : index
      %get3A_108 = vector.load %arg5[%get3A_106, %get3A_107] : memref<360x64xf32, #tpu.memory_space<vmem>>, vector<2x64xf32>
      %get3A_109 = arith.constant 0 : index
      %get3A_110 = arith.constant 0 : index
      %get3A_111 = vector.load %arg6[%get3A_109, %get3A_110] : memref<64x128xf32, #tpu.memory_space<vmem>>, vector<64x128xf32>
      %dot_general3A_112 = arith.constant dense<0.000000e+00> : vector<2x128xf32>
      %dot_general3A_113 = tpu.matmul %get3A_108, %get3A_111, %dot_general3A_112 {dimension_numbers = #tpu.dot_dimension_numbers<[1], [0], [0], [1], [0, 0, 1, 1], [], []>, precision = #tpu.contract_precision<fp32>, transpose_lhs_hint = false} : vector<2x64xf32>, vector<64x128xf32>, vector<2x128xf32> -> vector<2x128xf32>
      %slice3A_114 = vector.extract_strided_slice %dot_general3A_113 {offsets = [0, 0], sizes = [1, 128], strides = [1, 1]} : vector<2x128xf32> to vector<1x128xf32>
      %get3A_115 = arith.constant 0 : index
      %get3A_116 = arith.constant 0 : index
      %get3A_117 = vector.load %arg7[%get3A_115, %get3A_116] : memref<1x128xf32, #tpu.memory_space<vmem>>, vector<1x128xf32>
      %add3A_118 = arith.addf %slice3A_114, %get3A_117 : vector<1x128xf32>
      %slice3A_119 = vector.extract_strided_slice %dot_general3A_113 {offsets = [1, 0], sizes = [1, 128], strides = [1, 1]} : vector<2x128xf32> to vector<1x128xf32>
      %slice3A_120 = vector.extract_strided_slice %dot_general3A_113 {offsets = [0, 0], sizes = [1, 128], strides = [1, 1]} : vector<2x128xf32> to vector<1x128xf32>
      %sub3A_121 = arith.subf %slice3A_119, %slice3A_120 : vector<1x128xf32>
      %get3A_122 = arith.constant 1 : index
      %get3A_123 = arith.constant 0 : index
      %get3A_124 = vector.load %arg8[%get3A_122, %get3A_123] : memref<1000x64xf32, #tpu.memory_space<vmem>>, vector<2x64xf32>
      %get3A_125 = arith.constant 0 : index
      %get3A_126 = arith.constant 0 : index
      %get3A_127 = vector.load %arg9[%get3A_125, %get3A_126] : memref<80x128xf32, #tpu.memory_space<vmem>>, vector<64x128xf32>
      %dot_general3A_128 = arith.constant dense<0.000000e+00> : vector<2x128xf32>
      %dot_general3A_129 = tpu.matmul %get3A_124, %get3A_127, %dot_general3A_128 {dimension_numbers = #tpu.dot_dimension_numbers<[1], [0], [0], [1], [0, 0, 1, 1], [], []>, precision = #tpu.contract_precision<fp32>, transpose_lhs_hint = false} : vector<2x64xf32>, vector<64x128xf32>, vector<2x128xf32> -> vector<2x128xf32>
      %slice3A_130 = vector.extract_strided_slice %dot_general3A_129 {offsets = [0, 0], sizes = [1, 128], strides = [1, 1]} : vector<2x128xf32> to vector<1x128xf32>
      %get3A_131 = arith.constant 64 : index
      %get3A_132 = arith.constant 0 : index
      %get3A_133 = vector.load %arg9[%get3A_131, %get3A_132] : memref<80x128xf32, #tpu.memory_space<vmem>>, vector<1x128xf32>
      %add3A_134 = arith.addf %slice3A_130, %get3A_133 : vector<1x128xf32>
      %get3A_135 = arith.constant 0 : index
      %get3A_136 = arith.constant 0 : index
      %get3A_137 = vector.load %arg10[%get3A_135, %get3A_136] : memref<1x128xf32, #tpu.memory_space<vmem>>, vector<1x128xf32>
      %add3A_138 = arith.addf %add3A_134, %get3A_137 : vector<1x128xf32>
      %slice3A_139 = vector.extract_strided_slice %dot_general3A_129 {offsets = [1, 0], sizes = [1, 128], strides = [1, 1]} : vector<2x128xf32> to vector<1x128xf32>
      %slice3A_140 = vector.extract_strided_slice %dot_general3A_129 {offsets = [0, 0], sizes = [1, 128], strides = [1, 1]} : vector<2x128xf32> to vector<1x128xf32>
      %sub3A_141 = arith.subf %slice3A_139, %slice3A_140 : vector<1x128xf32>
      %get3A_142 = arith.constant 65 : index
      %get3A_143 = arith.constant 0 : index
      %get3A_144 = vector.load %arg9[%get3A_142, %get3A_143] : memref<80x128xf32, #tpu.memory_space<vmem>>, vector<1x128xf32>
      %get3A_145 = arith.constant 64 : index
      %get3A_146 = arith.constant 0 : index
      %get3A_147 = vector.load %arg9[%get3A_145, %get3A_146] : memref<80x128xf32, #tpu.memory_space<vmem>>, vector<1x128xf32>
      %sub3A_148 = arith.subf %get3A_144, %get3A_147 : vector<1x128xf32>
      %get3A_149 = arith.constant 1 : index
      %get3A_150 = arith.constant 0 : index
      %get3A_151 = vector.load %arg11[%get3A_149, %get3A_150] : memref<950x128xf32, #tpu.memory_space<vmem>>, vector<2x128xf32>
      %get3A_152 = arith.constant 0 : index
      %get3A_153 = arith.constant 0 : index
      %get3A_154 = vector.load %arg12[%get3A_152, %get3A_153] : memref<128x128xf32, #tpu.memory_space<vmem>>, vector<128x128xf32>
      %dot_general3A_155 = arith.constant dense<0.000000e+00> : vector<2x128xf32>
      %dot_general3A_156 = tpu.matmul %get3A_151, %get3A_154, %dot_general3A_155 {dimension_numbers = #tpu.dot_dimension_numbers<[1], [0], [0], [1], [0, 0, 1, 1], [], []>, precision = #tpu.contract_precision<fp32>, transpose_lhs_hint = false} : vector<2x128xf32>, vector<128x128xf32>, vector<2x128xf32> -> vector<2x128xf32>
      %slice3A_157 = vector.extract_strided_slice %dot_general3A_156 {offsets = [0, 0], sizes = [1, 128], strides = [1, 1]} : vector<2x128xf32> to vector<1x128xf32>
      %get3A_158 = arith.constant 0 : index
      %get3A_159 = arith.constant 0 : index
      %get3A_160 = vector.load %arg13[%get3A_158, %get3A_159] : memref<1x128xf32, #tpu.memory_space<vmem>>, vector<1x128xf32>
      %add3A_161 = arith.addf %slice3A_157, %get3A_160 : vector<1x128xf32>
      %slice3A_162 = vector.extract_strided_slice %dot_general3A_156 {offsets = [1, 0], sizes = [1, 128], strides = [1, 1]} : vector<2x128xf32> to vector<1x128xf32>
      %slice3A_163 = vector.extract_strided_slice %dot_general3A_156 {offsets = [0, 0], sizes = [1, 128], strides = [1, 1]} : vector<2x128xf32> to vector<1x128xf32>
      %sub3A_164 = arith.subf %slice3A_162, %slice3A_163 : vector<1x128xf32>
      %get3A_165 = arith.constant 1 : index
      %get3A_166 = arith.constant 0 : index
      %get3A_167 = vector.load %arg11[%get3A_165, %get3A_166] : memref<950x128xf32, #tpu.memory_space<vmem>>, vector<2x128xf32>
      %get3A_168 = arith.constant 0 : index
      %get3A_169 = arith.constant 0 : index
      %get3A_170 = vector.load %arg14[%get3A_168, %get3A_169] : memref<128x128xf32, #tpu.memory_space<vmem>>, vector<128x128xf32>
      %dot_general3A_171 = arith.constant dense<0.000000e+00> : vector<2x128xf32>
      %dot_general3A_172 = tpu.matmul %get3A_167, %get3A_170, %dot_general3A_171 {dimension_numbers = #tpu.dot_dimension_numbers<[1], [0], [0], [1], [0, 0, 1, 1], [], []>, precision = #tpu.contract_precision<fp32>, transpose_lhs_hint = false} : vector<2x128xf32>, vector<128x128xf32>, vector<2x128xf32> -> vector<2x128xf32>
      %slice3A_173 = vector.extract_strided_slice %dot_general3A_172 {offsets = [0, 0], sizes = [1, 128], strides = [1, 1]} : vector<2x128xf32> to vector<1x128xf32>
      %get3A_174 = arith.constant 0 : index
      %get3A_175 = arith.constant 0 : index
      %get3A_176 = vector.load %arg15[%get3A_174, %get3A_175] : memref<1x128xf32, #tpu.memory_space<vmem>>, vector<1x128xf32>
      %add3A_177 = arith.addf %slice3A_173, %get3A_176 : vector<1x128xf32>
      %slice3A_178 = vector.extract_strided_slice %dot_general3A_172 {offsets = [1, 0], sizes = [1, 128], strides = [1, 1]} : vector<2x128xf32> to vector<1x128xf32>
      %slice3A_179 = vector.extract_strided_slice %dot_general3A_172 {offsets = [0, 0], sizes = [1, 128], strides = [1, 1]} : vector<2x128xf32> to vector<1x128xf32>
      %sub3A_180 = arith.subf %slice3A_178, %slice3A_179 : vector<1x128xf32>
      %get3A_181 = arith.constant 0 : index
      %get3A_182 = arith.constant 0 : index
      %get3A_183 = vector.load %arg19[%get3A_181, %get3A_182] : memref<13x128xf32, #tpu.memory_space<vmem>>, vector<1x128xf32>
      %get3A_184 = arith.constant 7 : index
      %get3A_185 = arith.constant 0 : index
      %get3A_186 = vector.load %arg19[%get3A_184, %get3A_185] : memref<13x128xf32, #tpu.memory_space<vmem>>, vector<1x128xf32>
      %add3A_187 = arith.addf %get3A_183, %get3A_186 : vector<1x128xf32>
      %get3A_188 = arith.constant 10 : index
      %get3A_189 = arith.constant 0 : index
      %get3A_190 = vector.load %arg19[%get3A_188, %get3A_189] : memref<13x128xf32, #tpu.memory_space<vmem>>, vector<1x128xf32>
      %add3A_191 = arith.addf %add3A_187, %get3A_190 : vector<1x128xf32>
      %get3A_192 = arith.constant 0 : index
      %get3A_193 = arith.constant 0 : index
      %get3A_194 = vector.load %arg20[%get3A_192, %get3A_193] : memref<1x128xf32, #tpu.memory_space<vmem>>, vector<1x128xf32>
      %add3A_195 = arith.addf %add3A_191, %get3A_194 : vector<1x128xf32>
      %get3A_196 = arith.constant 1 : index
      %get3A_197 = arith.constant 0 : index
      %get3A_198 = vector.load %arg19[%get3A_196, %get3A_197] : memref<13x128xf32, #tpu.memory_space<vmem>>, vector<1x128xf32>
      %get3A_199 = arith.constant 0 : index
      %get3A_200 = arith.constant 0 : index
      %get3A_201 = vector.load %arg19[%get3A_199, %get3A_200] : memref<13x128xf32, #tpu.memory_space<vmem>>, vector<1x128xf32>
      %sub3A_202 = arith.subf %get3A_198, %get3A_201 : vector<1x128xf32>
      %get3A_203 = arith.constant 8 : index
      %get3A_204 = arith.constant 0 : index
      %get3A_205 = vector.load %arg19[%get3A_203, %get3A_204] : memref<13x128xf32, #tpu.memory_space<vmem>>, vector<1x128xf32>
      %get3A_206 = arith.constant 7 : index
      %get3A_207 = arith.constant 0 : index
      %get3A_208 = vector.load %arg19[%get3A_206, %get3A_207] : memref<13x128xf32, #tpu.memory_space<vmem>>, vector<1x128xf32>
      %sub3A_209 = arith.subf %get3A_205, %get3A_208 : vector<1x128xf32>
      %get3A_210 = arith.constant 0 : index
      %get3A_211 = arith.constant 0 : index
      %get3A_212 = vector.load %arg23[%get3A_210, %get3A_211] : memref<90x128xf32, #tpu.memory_space<vmem>>, vector<1x128xf32>
      %get3A_213 = arith.constant 27 : index
      %get3A_214 = arith.constant 0 : index
      %get3A_215 = vector.load %arg23[%get3A_213, %get3A_214] : memref<90x128xf32, #tpu.memory_space<vmem>>, vector<1x128xf32>
      %add3A_216 = arith.addf %get3A_212, %get3A_215 : vector<1x128xf32>
      %get3A_217 = arith.constant 55 : index
      %get3A_218 = arith.constant 0 : index
      %get3A_219 = vector.load %arg23[%get3A_217, %get3A_218] : memref<90x128xf32, #tpu.memory_space<vmem>>, vector<1x128xf32>
      %add3A_220 = arith.addf %add3A_216, %get3A_219 : vector<1x128xf32>
      %get3A_221 = arith.constant 62 : index
      %get3A_222 = arith.constant 0 : index
      %get3A_223 = vector.load %arg23[%get3A_221, %get3A_222] : memref<90x128xf32, #tpu.memory_space<vmem>>, vector<1x128xf32>
      %add3A_224 = arith.addf %add3A_220, %get3A_223 : vector<1x128xf32>
      %get3A_225 = arith.constant 69 : index
      %get3A_226 = arith.constant 0 : index
      %get3A_227 = vector.load %arg23[%get3A_225, %get3A_226] : memref<90x128xf32, #tpu.memory_space<vmem>>, vector<1x128xf32>
      %add3A_228 = arith.addf %add3A_224, %get3A_227 : vector<1x128xf32>
      %get3A_229 = arith.constant 76 : index
      %get3A_230 = arith.constant 0 : index
      %get3A_231 = vector.load %arg23[%get3A_229, %get3A_230] : memref<90x128xf32, #tpu.memory_space<vmem>>, vector<1x128xf32>
      %add3A_232 = arith.addf %add3A_228, %get3A_231 : vector<1x128xf32>
      %get3A_233 = arith.constant 83 : index
      %get3A_234 = arith.constant 0 : index
      %get3A_235 = vector.load %arg23[%get3A_233, %get3A_234] : memref<90x128xf32, #tpu.memory_space<vmem>>, vector<1x128xf32>
      %add3A_236 = arith.addf %add3A_232, %get3A_235 : vector<1x128xf32>
      %get3A_237 = arith.constant 0 : index
      %get3A_238 = arith.constant 0 : index
      %get3A_239 = vector.load %arg24[%get3A_237, %get3A_238] : memref<1x128xf32, #tpu.memory_space<vmem>>, vector<1x128xf32>
      %add3A_240 = arith.addf %add3A_236, %get3A_239 : vector<1x128xf32>
      %get3A_241 = arith.constant 54 : index
      %get3A_242 = arith.constant 0 : index
      %get3A_243 = vector.load %arg23[%get3A_241, %get3A_242] : memref<90x128xf32, #tpu.memory_space<vmem>>, vector<1x128xf32>
      %get3A_244 = arith.constant 2 : index
      %get3A_245 = arith.constant 0 : index
      %get3A_246 = vector.load %arg21[%get3A_244, %get3A_245] : memref<65x128xf32, #tpu.memory_space<vmem>>, vector<1x128xf32>
      %get3A_247 = arith.constant 1 : index
      %get3A_248 = arith.constant 0 : index
      %get3A_249 = vector.load %arg21[%get3A_247, %get3A_248] : memref<65x128xf32, #tpu.memory_space<vmem>>, vector<1x128xf32>
      %sub3A_250 = arith.subf %get3A_246, %get3A_249 : vector<1x128xf32>
      %get3A_251 = arith.constant 2 : index
      %get3A_252 = arith.constant 0 : index
      %get3A_253 = vector.load %arg16[%get3A_251, %get3A_252] : memref<3x128xf32, #tpu.memory_space<vmem>>, vector<1x128xf32>
      %get3A_254 = arith.constant 1 : index
      %get3A_255 = arith.constant 0 : index
      %get3A_256 = vector.load %arg16[%get3A_254, %get3A_255] : memref<3x128xf32, #tpu.memory_space<vmem>>, vector<1x128xf32>
      %sub3A_257 = arith.subf %get3A_253, %get3A_256 : vector<1x128xf32>
      %get3A_258 = arith.constant 2 : index
      %get3A_259 = arith.constant 0 : index
      %get3A_260 = vector.load %arg17[%get3A_258, %get3A_259] : memref<3x128xf32, #tpu.memory_space<vmem>>, vector<1x128xf32>
      %get3A_261 = arith.constant 1 : index
      %get3A_262 = arith.constant 0 : index
      %get3A_263 = vector.load %arg17[%get3A_261, %get3A_262] : memref<3x128xf32, #tpu.memory_space<vmem>>, vector<1x128xf32>
      %sub3A_264 = arith.subf %get3A_260, %get3A_263 : vector<1x128xf32>
      %get3A_265 = arith.constant 2 : index
      %get3A_266 = arith.constant 0 : index
      %get3A_267 = vector.load %arg18[%get3A_265, %get3A_266] : memref<4x128xf32, #tpu.memory_space<vmem>>, vector<1x128xf32>
      %get3A_268 = arith.constant 1 : index
      %get3A_269 = arith.constant 0 : index
      %get3A_270 = vector.load %arg18[%get3A_268, %get3A_269] : memref<4x128xf32, #tpu.memory_space<vmem>>, vector<1x128xf32>
      %sub3A_271 = arith.subf %get3A_267, %get3A_270 : vector<1x128xf32>
      %get3A_272 = arith.constant 2 : index
      %get3A_273 = arith.constant 0 : index
      %get3A_274 = vector.load %arg22[%get3A_272, %get3A_273] : memref<102x128xf32, #tpu.memory_space<vmem>>, vector<1x128xf32>
      %get3A_275 = arith.constant 1 : index
      %get3A_276 = arith.constant 0 : index
      %get3A_277 = vector.load %arg22[%get3A_275, %get3A_276] : memref<102x128xf32, #tpu.memory_space<vmem>>, vector<1x128xf32>
      %sub3A_278 = arith.subf %get3A_274, %get3A_277 : vector<1x128xf32>
      %get3A_279 = arith.constant 2 : index
      %get3A_280 = arith.constant 0 : index
      %get3A_281 = vector.load %arg26[%get3A_279, %get3A_280] : memref<20x128xf32, #tpu.memory_space<vmem>>, vector<1x128xf32>
      %get3A_282 = arith.constant 1 : index
      %get3A_283 = arith.constant 0 : index
      %get3A_284 = vector.load %arg26[%get3A_282, %get3A_283] : memref<20x128xf32, #tpu.memory_space<vmem>>, vector<1x128xf32>
      %sub3A_285 = arith.subf %get3A_281, %get3A_284 : vector<1x128xf32>
      %get3A_286 = arith.constant 1 : index
      %get3A_287 = arith.constant 0 : index
      %get3A_288 = vector.load %arg21[%get3A_286, %get3A_287] : memref<65x128xf32, #tpu.memory_space<vmem>>, vector<1x128xf32>
      %add3A_289 = arith.addf %add3A_102, %get3A_288 : vector<1x128xf32>
      %add3A_290 = arith.addf %add3A_289, %add3A_240 : vector<1x128xf32>
      %get3A_291 = arith.constant 1 : index
      %get3A_292 = arith.constant 0 : index
      %get3A_293 = vector.load %arg17[%get3A_291, %get3A_292] : memref<3x128xf32, #tpu.memory_space<vmem>>, vector<1x128xf32>
      %add3A_294 = arith.addf %add3A_290, %get3A_293 : vector<1x128xf32>
      %get3A_295 = arith.constant 1 : index
      %get3A_296 = arith.constant 0 : index
      %get3A_297 = vector.load %arg16[%get3A_295, %get3A_296] : memref<3x128xf32, #tpu.memory_space<vmem>>, vector<1x128xf32>
      %add3A_298 = arith.addf %add3A_294, %get3A_297 : vector<1x128xf32>
      %get3A_299 = arith.constant 1 : index
      %get3A_300 = arith.constant 0 : index
      %get3A_301 = vector.load %arg18[%get3A_299, %get3A_300] : memref<4x128xf32, #tpu.memory_space<vmem>>, vector<1x128xf32>
      %add3A_302 = arith.addf %add3A_298, %get3A_301 : vector<1x128xf32>
      %get3A_303 = arith.constant 1 : index
      %get3A_304 = arith.constant 0 : index
      %get3A_305 = vector.load %arg22[%get3A_303, %get3A_304] : memref<102x128xf32, #tpu.memory_space<vmem>>, vector<1x128xf32>
      %add3A_306 = arith.addf %add3A_302, %get3A_305 : vector<1x128xf32>
      %add3A_307 = arith.addf %add3A_306, %add3A_118 : vector<1x128xf32>
      %add3A_308 = arith.addf %add3A_307, %add3A_138 : vector<1x128xf32>
      %add3A_309 = arith.addf %add3A_308, %add3A_195 : vector<1x128xf32>
      %add3A_310 = arith.addf %add3A_309, %add3A_177 : vector<1x128xf32>
      %get3A_311 = arith.constant 1 : index
      %get3A_312 = arith.constant 0 : index
      %get3A_313 = vector.load %arg26[%get3A_311, %get3A_312] : memref<20x128xf32, #tpu.memory_space<vmem>>, vector<1x128xf32>
      %add3A_314 = arith.addf %add3A_310, %get3A_313 : vector<1x128xf32>
      %get3A_315 = arith.constant 1 : index
      %get3A_316 = arith.constant 0 : index
      %get3A_317 = vector.load %arg25[%get3A_315, %get3A_316] : memref<2x128xf32, #tpu.memory_space<vmem>>, vector<1x128xf32>
      %add3A_318 = arith.addf %add3A_314, %get3A_317 : vector<1x128xf32>
      %add3A_319 = arith.addf %add3A_318, %add3A_161 : vector<1x128xf32>
      %broadcast_in_dim3A_320 = arith.constant 0.000000e+00 : f32
      %broadcast_in_dim3A_321 = vector.broadcast %broadcast_in_dim3A_320 : f32 to vector<1x128xf32>
      %max3A_322 = arith.constant 0.000000e+00 : f32
      %max3A_323 = vector.broadcast %max3A_322 : f32 to vector<1x128xf32>
      %max3A_324 = arith.maximumf %sub3A_164, %max3A_323 : vector<1x128xf32>
      %min3A = arith.constant 0.000000e+00 : f32
      %min3A_325 = vector.broadcast %min3A : f32 to vector<1x128xf32>
      %min3A_326 = arith.minimumf %sub3A_164, %min3A_325 : vector<1x128xf32>
      %concatenate3A_327 = tpu.concatenate %sub3A_105, %sub3A_250, %broadcast_in_dim3A_321, %broadcast_in_dim3A_321, %broadcast_in_dim3A_321, %get3A_243, %broadcast_in_dim3A_321, %broadcast_in_dim3A_321, %broadcast_in_dim3A_321, %broadcast_in_dim3A_321, %broadcast_in_dim3A_321, %sub3A_264, %sub3A_257, %sub3A_278, %sub3A_271, %sub3A_121, %broadcast_in_dim3A_321, %sub3A_141, %broadcast_in_dim3A_321, %sub3A_148, %broadcast_in_dim3A_321, %sub3A_202, %sub3A_209, %broadcast_in_dim3A_321, %sub3A_180, %broadcast_in_dim3A_321, %broadcast_in_dim3A_321, %broadcast_in_dim3A_321, %broadcast_in_dim3A_321, %broadcast_in_dim3A_321, %sub3A_285, %broadcast_in_dim3A_321, %add3A_319, %add3A_118, %sub3A_121, %add3A_138, %sub3A_141, %sub3A_148, %max3A_324, %min3A_326, %broadcast_in_dim3A_321, %broadcast_in_dim3A_321, %broadcast_in_dim3A_321, %broadcast_in_dim3A_321, %broadcast_in_dim3A_321, %broadcast_in_dim3A_321, %broadcast_in_dim3A_321, %broadcast_in_dim3A_321 in 0 : vector<1x128xf32>, vector<1x128xf32>, vector<1x128xf32>, vector<1x128xf32>, vector<1x128xf32>, vector<1x128xf32>, vector<1x128xf32>, vector<1x128xf32>, vector<1x128xf32>, vector<1x128xf32>, vector<1x128xf32>, vector<1x128xf32>, vector<1x128xf32>, vector<1x128xf32>, vector<1x128xf32>, vector<1x128xf32>, vector<1x128xf32>, vector<1x128xf32>, vector<1x128xf32>, vector<1x128xf32>, vector<1x128xf32>, vector<1x128xf32>, vector<1x128xf32>, vector<1x128xf32>, vector<1x128xf32>, vector<1x128xf32>, vector<1x128xf32>, vector<1x128xf32>, vector<1x128xf32>, vector<1x128xf32>, vector<1x128xf32>, vector<1x128xf32>, vector<1x128xf32>, vector<1x128xf32>, vector<1x128xf32>, vector<1x128xf32>, vector<1x128xf32>, vector<1x128xf32>, vector<1x128xf32>, vector<1x128xf32>, vector<1x128xf32>, vector<1x128xf32>, vector<1x128xf32>, vector<1x128xf32>, vector<1x128xf32>, vector<1x128xf32>, vector<1x128xf32>, vector<1x128xf32> -> vector<48x128xf32>
      %swap3A_328 = arith.constant 0 : index
      %swap3A_329 = arith.constant 0 : index
      %swap3A_330 = vector.load %arg34[%swap3A_328, %swap3A_329] : memref<48x128xf32, #tpu.memory_space<vmem>>, vector<48x128xf32>
      tpu.vector_store %arg34[%swap3A_328, %swap3A_329], %concatenate3A_327 {strides = array<i32>} : memref<48x128xf32, #tpu.memory_space<vmem>>, vector<48x128xf32>,
      %concatenate3A_331 = tpu.concatenate %broadcast_in_dim3A_321, %broadcast_in_dim3A_321, %broadcast_in_dim3A_321, %broadcast_in_dim3A_321 in 1 : vector<1x128xf32>, vector<1x128xf32>, vector<1x128xf32>, vector<1x128xf32> -> vector<1x512xf32>
      %concatenate3A_332 = tpu.concatenate %add3A_161, %add3A_161, %add3A_161, %add3A_161 in 1 : vector<1x128xf32>, vector<1x128xf32>, vector<1x128xf32>, vector<1x128xf32> -> vector<1x512xf32>
      %concatenate3A_333 = tpu.concatenate %sub3A_164, %broadcast_in_dim3A_321, %broadcast_in_dim3A_321, %broadcast_in_dim3A_321 in 1 : vector<1x128xf32>, vector<1x128xf32>, vector<1x128xf32>, vector<1x128xf32> -> vector<1x512xf32>
      %concatenate3A_334 = tpu.concatenate %broadcast_in_dim3A_321, %sub3A_164, %broadcast_in_dim3A_321, %broadcast_in_dim3A_321 in 1 : vector<1x128xf32>, vector<1x128xf32>, vector<1x128xf32>, vector<1x128xf32> -> vector<1x512xf32>
      %concatenate3A_335 = tpu.concatenate %broadcast_in_dim3A_321, %broadcast_in_dim3A_321, %sub3A_164, %broadcast_in_dim3A_321 in 1 : vector<1x128xf32>, vector<1x128xf32>, vector<1x128xf32>, vector<1x128xf32> -> vector<1x512xf32>
      %concatenate3A_336 = tpu.concatenate %broadcast_in_dim3A_321, %broadcast_in_dim3A_321, %broadcast_in_dim3A_321, %sub3A_164 in 1 : vector<1x128xf32>, vector<1x128xf32>, vector<1x128xf32>, vector<1x128xf32> -> vector<1x512xf32>
      %concatenate3A_337 = tpu.concatenate %concatenate3A_332, %concatenate3A_333, %concatenate3A_334, %concatenate3A_335, %concatenate3A_336, %concatenate3A_331, %concatenate3A_331, %concatenate3A_331 in 0 : vector<1x512xf32>, vector<1x512xf32>, vector<1x512xf32>, vector<1x512xf32>, vector<1x512xf32>, vector<1x512xf32>, vector<1x512xf32>, vector<1x512xf32> -> vector<8x512xf32>
      %swap3A_338 = arith.constant 0 : index
      %swap3A_339 = arith.constant 0 : index
      %swap3A_340 = vector.load %arg35[%swap3A_338, %swap3A_339] : memref<8x512xf32, #tpu.memory_space<vmem>>, vector<8x512xf32>
      tpu.vector_store %arg35[%swap3A_338, %swap3A_339], %concatenate3A_337 {strides = array<i32>} : memref<8x512xf32, #tpu.memory_space<vmem>>, vector<8x512xf32>,
    } else {
    }
    %get3A = arith.constant 0 : index
    %get3A_2 = arith.constant 0 : index
    %get3A_3 = vector.load %arg1[%get3A, %get3A_2] : memref<2048x32xf32, #tpu.memory_space<vmem>>, vector<2048x32xf32>
    %broadcast_in_dim3A = arith.constant 1.000000e+00 : f32
    %broadcast_in_dim3A_4 = vector.broadcast %broadcast_in_dim3A : f32 to vector<2048x1xf32>
    %slice3A = vector.extract_strided_slice %get3A_3 {offsets = [0, 15], sizes = [2048, 1], strides = [1, 1]} : vector<2048x32xf32> to vector<2048x1xf32>
    %slice3A_5 = vector.extract_strided_slice %get3A_3 {offsets = [0, 16], sizes = [2048, 1], strides = [1, 1]} : vector<2048x32xf32> to vector<2048x1xf32>
    %slice3A_6 = vector.extract_strided_slice %get3A_3 {offsets = [0, 17], sizes = [2048, 1], strides = [1, 1]} : vector<2048x32xf32> to vector<2048x1xf32>
    %slice3A_7 = vector.extract_strided_slice %get3A_3 {offsets = [0, 18], sizes = [2048, 1], strides = [1, 1]} : vector<2048x32xf32> to vector<2048x1xf32>
    %slice3A_8 = vector.extract_strided_slice %get3A_3 {offsets = [0, 20], sizes = [2048, 1], strides = [1, 1]} : vector<2048x32xf32> to vector<2048x1xf32>
    %add3A = arith.addf %slice3A, %slice3A_5 : vector<2048x1xf32>
    %mul3A = arith.constant 2.000000e+00 : f32
    %mul3A_9 = vector.broadcast %mul3A : f32 to vector<2048x1xf32>
    %mul3A_10 = arith.mulf %mul3A_9, %slice3A : vector<2048x1xf32>
    %mul3A_11 = arith.mulf %mul3A_10, %slice3A_5 : vector<2048x1xf32>
    %sub3A = arith.subf %add3A, %mul3A_11 : vector<2048x1xf32>
    %add3A_12 = arith.addf %slice3A_6, %slice3A_7 : vector<2048x1xf32>
    %mul3A_13 = arith.constant 2.000000e+00 : f32
    %mul3A_14 = vector.broadcast %mul3A_13 : f32 to vector<2048x1xf32>
    %mul3A_15 = arith.mulf %mul3A_14, %slice3A_6 : vector<2048x1xf32>
    %mul3A_16 = arith.mulf %mul3A_15, %slice3A_7 : vector<2048x1xf32>
    %sub3A_17 = arith.subf %add3A_12, %mul3A_16 : vector<2048x1xf32>
    %slice3A_18 = vector.extract_strided_slice %get3A_3 {offsets = [0, 25], sizes = [2048, 4], strides = [1, 1]} : vector<2048x32xf32> to vector<2048x4xf32>
    %reduce_max3A = arith.constant dense<0xFF800000> : vector<2048xf32>
    %reduce_max3A_19 = vector.multi_reduction <maximumf>, %slice3A_18, %reduce_max3A [1] : vector<2048x4xf32> to vector<2048xf32>
    %broadcast_in_dim3A_20 = vector.shape_cast %reduce_max3A_19 : vector<2048xf32> to vector<2048x1xf32>
    %reduce_min3A = arith.constant dense<0x7F800000> : vector<2048xf32>
    %reduce_min3A_21 = vector.multi_reduction <minimumf>, %slice3A_18, %reduce_min3A [1] : vector<2048x4xf32> to vector<2048xf32>
    %broadcast_in_dim3A_22 = vector.shape_cast %reduce_min3A_21 : vector<2048xf32> to vector<2048x1xf32>
    %mul3A_23 = arith.mulf %sub3A, %slice3A_5 : vector<2048x1xf32>
    %mul3A_24 = arith.mulf %slice3A_6, %slice3A_7 : vector<2048x1xf32>
    %sub3A_25 = arith.subf %slice3A_7, %mul3A_24 : vector<2048x1xf32>
    %mul3A_26 = arith.mulf %sub3A_17, %slice3A_8 : vector<2048x1xf32>
    %broadcast_in_dim3A_27 = arith.constant 0.000000e+00 : f32
    %broadcast_in_dim3A_28 = vector.broadcast %broadcast_in_dim3A_27 : f32 to vector<2048x8xf32>
    %concatenate3A = tpu.concatenate %get3A_3, %broadcast_in_dim3A_4, %sub3A, %mul3A_23, %sub3A_17, %sub3A_25, %mul3A_26, %broadcast_in_dim3A_20, %broadcast_in_dim3A_22, %broadcast_in_dim3A_28 in 1 : vector<2048x32xf32>, vector<2048x1xf32>, vector<2048x1xf32>, vector<2048x1xf32>, vector<2048x1xf32>, vector<2048x1xf32>, vector<2048x1xf32>, vector<2048x1xf32>, vector<2048x1xf32>, vector<2048x8xf32> -> vector<2048x48xf32>
    %get3A_29 = arith.constant 0 : index
    %get3A_30 = arith.constant 0 : index
    %get3A_31 = vector.load %arg34[%get3A_29, %get3A_30] : memref<48x128xf32, #tpu.memory_space<vmem>>, vector<48x128xf32>
    %dot_general3A = arith.constant dense<0.000000e+00> : vector<2048x128xf32>
    %dot_general3A_32 = tpu.matmul %concatenate3A, %get3A_31, %dot_general3A {dimension_numbers = #tpu.dot_dimension_numbers<[1], [0], [0], [1], [0, 0, 1, 1], [], []>, precision = #tpu.contract_precision<fp32>, transpose_lhs_hint = false} : vector<2048x48xf32>, vector<48x128xf32>, vector<2048x128xf32> -> vector<2048x128xf32>
    %max3A = arith.constant 0.000000e+00 : f32
    %max3A_33 = vector.broadcast %max3A : f32 to vector<2048x128xf32>
    %max3A_34 = arith.maximumf %dot_general3A_32, %max3A_33 : vector<2048x128xf32>
    %reduce_sum3A = arith.constant dense<0.000000e+00> : vector<2048xf32>
    %reduce_sum3A_35 = vector.multi_reduction <add>, %max3A_34, %reduce_sum3A [1] : vector<2048x128xf32> to vector<2048xf32>
    %broadcast_in_dim3A_36 = vector.shape_cast %reduce_sum3A_35 : vector<2048xf32> to vector<2048x1xf32>
    %div3A = arith.constant 1.280000e+02 : f32
    %div3A_37 = vector.broadcast %div3A : f32 to vector<2048x1xf32>
    %div3A_38 = arith.divf %broadcast_in_dim3A_36, %div3A_37 : vector<2048x1xf32>
    %sub3A_39 = vector.broadcast %div3A_38 : vector<2048x1xf32> to vector<2048x128xf32>
    %sub3A_40 = arith.subf %max3A_34, %sub3A_39 : vector<2048x128xf32>
    %mul3A_41 = arith.mulf %sub3A_40, %sub3A_40 : vector<2048x128xf32>
    %reduce_sum3A_42 = arith.constant dense<0.000000e+00> : vector<2048xf32>
    %reduce_sum3A_43 = vector.multi_reduction <add>, %mul3A_41, %reduce_sum3A_42 [1] : vector<2048x128xf32> to vector<2048xf32>
    %broadcast_in_dim3A_44 = vector.shape_cast %reduce_sum3A_43 : vector<2048xf32> to vector<2048x1xf32>
    %div3A_45 = arith.constant 1.280000e+02 : f32
    %div3A_46 = vector.broadcast %div3A_45 : f32 to vector<2048x1xf32>
    %div3A_47 = arith.divf %broadcast_in_dim3A_44, %div3A_46 : vector<2048x1xf32>
    %add3A_48 = arith.constant 9.99999974E-6 : f32
    %add3A_49 = vector.broadcast %add3A_48 : f32 to vector<2048x1xf32>
    %add3A_50 = arith.addf %div3A_47, %add3A_49 : vector<2048x1xf32>
    %rsqrt3A = math.rsqrt %add3A_50 : vector<2048x1xf32>
    %mul3A_51 = vector.broadcast %rsqrt3A : vector<2048x1xf32> to vector<2048x128xf32>
    %mul3A_52 = arith.mulf %sub3A_40, %mul3A_51 : vector<2048x128xf32>
    %get3A_53 = arith.constant 0 : index
    %get3A_54 = arith.constant 0 : index
    %get3A_55 = vector.load %arg27[%get3A_53, %get3A_54] : memref<1x128xf32, #tpu.memory_space<vmem>>, vector<1x128xf32>
    %mul3A_56 = vector.broadcast %get3A_55 : vector<1x128xf32> to vector<2048x128xf32>
    %mul3A_57 = arith.mulf %mul3A_52, %mul3A_56 : vector<2048x128xf32>
    %get3A_58 = arith.constant 0 : index
    %get3A_59 = arith.constant 0 : index
    %get3A_60 = vector.load %arg28[%get3A_58, %get3A_59] : memref<1x128xf32, #tpu.memory_space<vmem>>, vector<1x128xf32>
    %add3A_61 = vector.broadcast %get3A_60 : vector<1x128xf32> to vector<2048x128xf32>
    %add3A_62 = arith.addf %mul3A_57, %add3A_61 : vector<2048x128xf32>
    %get3A_63 = arith.constant 0 : index
    %get3A_64 = arith.constant 0 : index
    %get3A_65 = vector.load %arg29[%get3A_63, %get3A_64] : memref<128x128xf32, #tpu.memory_space<vmem>>, vector<128x128xf32>
    %dot_general3A_66 = arith.constant dense<0.000000e+00> : vector<2048x128xf32>
    %dot_general3A_67 = tpu.matmul %add3A_62, %get3A_65, %dot_general3A_66 {dimension_numbers = #tpu.dot_dimension_numbers<[1], [0], [0], [1], [0, 0, 1, 1], [], []>, precision = #tpu.contract_precision<fp32>, transpose_lhs_hint = false} : vector<2048x128xf32>, vector<128x128xf32>, vector<2048x128xf32> -> vector<2048x128xf32>
    %get3A_68 = arith.constant 0 : index
    %get3A_69 = arith.constant 0 : index
    %get3A_70 = vector.load %arg30[%get3A_68, %get3A_69] : memref<1x128xf32, #tpu.memory_space<vmem>>, vector<1x128xf32>
    %add3A_71 = vector.broadcast %get3A_70 : vector<1x128xf32> to vector<2048x128xf32>
    %add3A_72 = arith.addf %dot_general3A_67, %add3A_71 : vector<2048x128xf32>
    %swap3A = arith.constant 0 : index
    %swap3A_73 = arith.constant 0 : index
    %swap3A_74 = vector.load %arg31[%swap3A, %swap3A_73] : memref<2048x128xf32, #tpu.memory_space<vmem>>, vector<2048x128xf32>
    tpu.vector_store %arg31[%swap3A, %swap3A_73], %add3A_72 {strides = array<i32>} : memref<2048x128xf32, #tpu.memory_space<vmem>>, vector<2048x128xf32>,
    %slice3A_75 = vector.extract_strided_slice %get3A_3 {offsets = [0, 11], sizes = [2048, 1], strides = [1, 1]} : vector<2048x32xf32> to vector<2048x1xf32>
    %swap3A_76 = arith.constant 0 : index
    %swap3A_77 = arith.constant 0 : index
    %swap3A_78 = vector.load %arg32[%swap3A_76, %swap3A_77] : memref<2048x1xf32, #tpu.memory_space<vmem>>, vector<2048x1xf32>
    tpu.vector_store %arg32[%swap3A_76, %swap3A_77], %slice3A_75 {strides = array<i32>} : memref<2048x1xf32, #tpu.memory_space<vmem>>, vector<2048x1xf32>,
    %broadcast_in_dim3A_79 = arith.constant 0.000000e+00 : f32
    %broadcast_in_dim3A_80 = vector.broadcast %broadcast_in_dim3A_79 : f32 to vector<2048x3xf32>
    %concatenate3A_81 = tpu.concatenate %broadcast_in_dim3A_4, %slice3A_18, %broadcast_in_dim3A_80 in 1 : vector<2048x1xf32>, vector<2048x4xf32>, vector<2048x3xf32> -> vector<2048x8xf32>
    %get3A_82 = arith.constant 0 : index
    %get3A_83 = arith.constant 0 : index
    %get3A_84 = vector.load %arg35[%get3A_82, %get3A_83] : memref<8x512xf32, #tpu.memory_space<vmem>>, vector<8x512xf32>
    %dot_general3A_85 = arith.constant dense<0.000000e+00> : vector<2048x512xf32>
    %dot_general3A_86 = tpu.matmul %concatenate3A_81, %get3A_84, %dot_general3A_85 {dimension_numbers = #tpu.dot_dimension_numbers<[1], [0], [0], [1], [0, 0, 1, 1], [], []>, precision = #tpu.contract_precision<fp32>, transpose_lhs_hint = false} : vector<2048x8xf32>, vector<8x512xf32>, vector<2048x512xf32> -> vector<2048x512xf32>
    %swap3A_87 = arith.constant 0 : index
    %swap3A_88 = arith.constant 0 : index
    %swap3A_89 = vector.load %arg33[%swap3A_87, %swap3A_88] : memref<2048x512xf32, #tpu.memory_space<vmem>>, vector<2048x512xf32>
    tpu.vector_store %arg33[%swap3A_87, %swap3A_88], %dot_general3A_86 {strides = array<i32>} : memref<2048x512xf32, #tpu.memory_space<vmem>>, vector<2048x512xf32>,
    return
  }
  func.func @transform_0(%arg0: i32) -> (i32, i32) {
    %c0_i32 = arith.constant 0 : i32
    %c0_i32_0 = arith.constant 0 : i32
    return %arg0, %c0_i32 : i32, i32
  }
  func.func @transform_1(%arg0: i32) -> (i32, i32) {
    %c0_i32 = arith.constant 0 : i32
    %c0_i32_0 = arith.constant 0 : i32
    %c0_i32_1 = arith.constant 0 : i32
    return %c0_i32, %c0_i32_0 : i32, i32
  }
  func.func @transform_2(%arg0: i32) -> (i32, i32) {
    %c0_i32 = arith.constant 0 : i32
    %c0_i32_0 = arith.constant 0 : i32
    %c0_i32_1 = arith.constant 0 : i32
    return %c0_i32, %c0_i32_0 : i32, i32
  }
  func.func @transform_3(%arg0: i32) -> (i32, i32) {
    %c0_i32 = arith.constant 0 : i32
    %c0_i32_0 = arith.constant 0 : i32
    %c0_i32_1 = arith.constant 0 : i32
    return %c0_i32, %c0_i32_0 : i32, i32
  }
  func.func @transform_4(%arg0: i32) -> (i32, i32) {
    %c0_i32 = arith.constant 0 : i32
    %c0_i32_0 = arith.constant 0 : i32
    %c0_i32_1 = arith.constant 0 : i32
    return %c0_i32, %c0_i32_0 : i32, i32
  }
  func.func @transform_5(%arg0: i32) -> (i32, i32) {
    %c0_i32 = arith.constant 0 : i32
    %c0_i32_0 = arith.constant 0 : i32
    %c0_i32_1 = arith.constant 0 : i32
    return %c0_i32, %c0_i32_0 : i32, i32
  }
  func.func @transform_6(%arg0: i32) -> (i32, i32) {
    %c0_i32 = arith.constant 0 : i32
    %c0_i32_0 = arith.constant 0 : i32
    %c0_i32_1 = arith.constant 0 : i32
    return %c0_i32, %c0_i32_0 : i32, i32
  }
  func.func @transform_7(%arg0: i32) -> (i32, i32) {
    %c0_i32 = arith.constant 0 : i32
    %c0_i32_0 = arith.constant 0 : i32
    %c0_i32_1 = arith.constant 0 : i32
    return %c0_i32, %c0_i32_0 : i32, i32
  }
  func.func @transform_8(%arg0: i32) -> (i32, i32) {
    %c0_i32 = arith.constant 0 : i32
    %c0_i32_0 = arith.constant 0 : i32
    %c0_i32_1 = arith.constant 0 : i32
    return %c0_i32, %c0_i32_0 : i32, i32
  }
  func.func @transform_9(%arg0: i32) -> (i32, i32) {
    %c0_i32 = arith.constant 0 : i32
    %c0_i32_0 = arith.constant 0 : i32
    %c0_i32_1 = arith.constant 0 : i32
    return %c0_i32, %c0_i32_0 : i32, i32
  }
  func.func @transform_10(%arg0: i32) -> (i32, i32) {
    %c0_i32 = arith.constant 0 : i32
    %c0_i32_0 = arith.constant 0 : i32
    %c0_i32_1 = arith.constant 0 : i32
    return %c0_i32, %c0_i32_0 : i32, i32
  }
  func.func @transform_11(%arg0: i32) -> (i32, i32) {
    %c0_i32 = arith.constant 0 : i32
    %c0_i32_0 = arith.constant 0 : i32
    %c0_i32_1 = arith.constant 0 : i32
    return %c0_i32, %c0_i32_0 : i32, i32
  }
  func.func @transform_12(%arg0: i32) -> (i32, i32) {
    %c0_i32 = arith.constant 0 : i32
    %c0_i32_0 = arith.constant 0 : i32
    %c0_i32_1 = arith.constant 0 : i32
    return %c0_i32, %c0_i32_0 : i32, i32
  }
  func.func @transform_13(%arg0: i32) -> (i32, i32) {
    %c0_i32 = arith.constant 0 : i32
    %c0_i32_0 = arith.constant 0 : i32
    %c0_i32_1 = arith.constant 0 : i32
    return %c0_i32, %c0_i32_0 : i32, i32
  }
  func.func @transform_14(%arg0: i32) -> (i32, i32) {
    %c0_i32 = arith.constant 0 : i32
    %c0_i32_0 = arith.constant 0 : i32
    %c0_i32_1 = arith.constant 0 : i32
    return %c0_i32, %c0_i32_0 : i32, i32
  }
  func.func @transform_15(%arg0: i32) -> (i32, i32) {
    %c0_i32 = arith.constant 0 : i32
    %c0_i32_0 = arith.constant 0 : i32
    %c0_i32_1 = arith.constant 0 : i32
    return %c0_i32, %c0_i32_0 : i32, i32
  }
  func.func @transform_16(%arg0: i32) -> (i32, i32) {
    %c0_i32 = arith.constant 0 : i32
    %c0_i32_0 = arith.constant 0 : i32
    %c0_i32_1 = arith.constant 0 : i32
    return %c0_i32, %c0_i32_0 : i32, i32
  }
  func.func @transform_17(%arg0: i32) -> (i32, i32) {
    %c0_i32 = arith.constant 0 : i32
    %c0_i32_0 = arith.constant 0 : i32
    %c0_i32_1 = arith.constant 0 : i32
    return %c0_i32, %c0_i32_0 : i32, i32
  }
  func.func @transform_18(%arg0: i32) -> (i32, i32) {
    %c0_i32 = arith.constant 0 : i32
    %c0_i32_0 = arith.constant 0 : i32
    %c0_i32_1 = arith.constant 0 : i32
    return %c0_i32, %c0_i32_0 : i32, i32
  }
  func.func @transform_19(%arg0: i32) -> (i32, i32) {
    %c0_i32 = arith.constant 0 : i32
    %c0_i32_0 = arith.constant 0 : i32
    %c0_i32_1 = arith.constant 0 : i32
    return %c0_i32, %c0_i32_0 : i32, i32
  }
  func.func @transform_20(%arg0: i32) -> (i32, i32) {
    %c0_i32 = arith.constant 0 : i32
    %c0_i32_0 = arith.constant 0 : i32
    %c0_i32_1 = arith.constant 0 : i32
    return %c0_i32, %c0_i32_0 : i32, i32
  }
  func.func @transform_21(%arg0: i32) -> (i32, i32) {
    %c0_i32 = arith.constant 0 : i32
    %c0_i32_0 = arith.constant 0 : i32
    %c0_i32_1 = arith.constant 0 : i32
    return %c0_i32, %c0_i32_0 : i32, i32
  }
  func.func @transform_22(%arg0: i32) -> (i32, i32) {
    %c0_i32 = arith.constant 0 : i32
    %c0_i32_0 = arith.constant 0 : i32
    %c0_i32_1 = arith.constant 0 : i32
    return %c0_i32, %c0_i32_0 : i32, i32
  }
  func.func @transform_23(%arg0: i32) -> (i32, i32) {
    %c0_i32 = arith.constant 0 : i32
    %c0_i32_0 = arith.constant 0 : i32
    %c0_i32_1 = arith.constant 0 : i32
    return %c0_i32, %c0_i32_0 : i32, i32
  }
  func.func @transform_24(%arg0: i32) -> (i32, i32) {
    %c0_i32 = arith.constant 0 : i32
    %c0_i32_0 = arith.constant 0 : i32
    %c0_i32_1 = arith.constant 0 : i32
    return %c0_i32, %c0_i32_0 : i32, i32
  }
  func.func @transform_25(%arg0: i32) -> (i32, i32) {
    %c0_i32 = arith.constant 0 : i32
    %c0_i32_0 = arith.constant 0 : i32
    %c0_i32_1 = arith.constant 0 : i32
    return %c0_i32, %c0_i32_0 : i32, i32
  }
  func.func @transform_26(%arg0: i32) -> (i32, i32) {
    %c0_i32 = arith.constant 0 : i32
    %c0_i32_0 = arith.constant 0 : i32
    %c0_i32_1 = arith.constant 0 : i32
    return %c0_i32, %c0_i32_0 : i32, i32
  }
  func.func @transform_27(%arg0: i32) -> (i32, i32) {
    %c0_i32 = arith.constant 0 : i32
    %c0_i32_0 = arith.constant 0 : i32
    %c0_i32_1 = arith.constant 0 : i32
    return %c0_i32, %c0_i32_0 : i32, i32
  }
  func.func @transform_28(%arg0: i32) -> (i32, i32) {
    %c0_i32 = arith.constant 0 : i32
    %c0_i32_0 = arith.constant 0 : i32
    %c0_i32_1 = arith.constant 0 : i32
    return %c0_i32, %c0_i32_0 : i32, i32
  }
  func.func @transform_29(%arg0: i32) -> (i32, i32) {
    %c0_i32 = arith.constant 0 : i32
    %c0_i32_0 = arith.constant 0 : i32
    %c0_i32_1 = arith.constant 0 : i32
    return %c0_i32, %c0_i32_0 : i32, i32
  }
  func.func @transform_30(%arg0: i32) -> (i32, i32) {
    %c0_i32 = arith.constant 0 : i32
    %c0_i32_0 = arith.constant 0 : i32
    return %arg0, %c0_i32 : i32, i32
  }
  func.func @transform_31(%arg0: i32) -> (i32, i32) {
    %c0_i32 = arith.constant 0 : i32
    %c0_i32_0 = arith.constant 0 : i32
    return %arg0, %c0_i32 : i32, i32
  }
  func.func @transform_32(%arg0: i32) -> (i32, i32) {
    %c0_i32 = arith.constant 0 : i32
    %c0_i32_0 = arith.constant 0 : i32
    return %arg0, %c0_i32 : i32, i32
  }
}

</mosaic_0001>

<sc_bundles>
// kernel: sparse-core-data-format-call.cloned.1.call-start
scs
called_computation_lowered:
.L_overlay_start_0:
0x0: {  	s2 =	sld [smem:$0x3FD9]  }
0x1: {  	s3 =	sld [smem:$0x3FFE];
	_ =	sdelay $0x1  }
0x2: {  	s1 =	srdreg.scid  }
0x3: {  	s0 =	sand.u32 $0x1, s1  }
0x4: {  	s15 =	sshll.u32 s0, $0xA;
	s2 =	sadd.s32 s3, s2  }
0x5: {  	s2 =	sadd.s32 s2, s15  }
0x6: {  	[smem:$0x3FAA] =	sst s2  }
0x7: {  	_ = 	snop  }
0x8: {  	s2 =	sld [smem:$0x3FD0];
	_ =	sdelay $0x2  }
0x9: {  	s16 =	simm.s32 $0xA;
	s4 =	simm.s32 $0x10  }
0xa: {  	[smem:s4], [sflag:s16] =	dma.local [hbm:s2], $0x1  }
0xb: {  	_ =	swait.eq [sflag:s16], $0x1  }
0xc: {  	[sflag:s16] =	ssyncset.done $0x0  }
0xd: {  	[sflag:s16] =	ssyncadd.s32 $0xFFFFFFFF  }
0xe: {  	s17 =	sld [smem:$0x10];
	(tm) =	ssettm $0x1  }
0xf: {  	s18 =	sld [smem:$0x3FFB];
	_ =	sdelay $0x3  }
0x10: {  	_ =	strace s18  }
0x11: {  	s3 =	sld [smem:$0x3FFC];
	_ =	sdelay $0x3  }
0x12: {  	_ =	strace s3  }
0x13: {  	s3 =	sld [smem:$0x3FFD];
	_ =	sdelay $0x3  }
0x14: {  	_ =	strace s3  }
0x15: {  	_ =	strace $0x8FFFFFFF  }
0x16: {  	s19 =	sld [smem:$0x3FDB];
	_ =	sdelay $0x1  }
0x17: {  	s20 =	simm.s32 $_scs_section_size  }
0x18: {  	s5 =	simm.s32 $_size__tile_overlayer_lowered;
	s6 =	simm.s32 $_tile_overlayer_lowered  }
0x19: {  	s23 =	simm.s32 $0x1BFF;
	s22 =	sshll.u32 s6, $0x1;
	s3 =	sadd.s32 s20, s19  }
0x1a: {  	s7 =	simm.s32 $0x0;
	s21 =	sshll.u32 s5, $0x1;
	s5 =	sadd.s32 s22, s3  }
0x1b: {  	[timem:s7], [sflag:s23] =	dma.local [hbm:s5], s21  }
0x1c: {  	_ =	swait.ge [sflag:s23], s21  }
0x1d: {  	s4 =	ssub.s32 $0x0, s21;
	[sflag:s23] =	ssyncset.done $0x0  }
0x1e: {  	[sflag:s23] =	ssyncadd.s32 s4;
	_ =	sdelay $0x1  }
0x1f: {  	s24 =	simm.s32 $0x1B8B  }
0x20: {  	_ =	swait.ge [sflag:s24], $0x1  }
0x21: {  	[sflag:s24] =	ssyncset.done $0x0  }
0x22: {  	s26 =	simm.s32 $0x1B8E;
	s25 =	sld [smem:$0x3FFE];
	[sflag:s24] =	ssyncadd.s32 $0xFFFFFFFF  }
0x23: {  	s27 =	simm.s32 $execute0_lowered;
	[smem:$0x3FD2] =	sst s26  }
0x24: {  	s5 =	sshll.u32 s27, $0x1;
	_ =	strace $0x80000046;
	[dreg:$0x1] =	wrdreg $0xFFFFFFFF  }
0x25: {  	s28 =	simm.s32 $_size_execute0_lowered;
	s3 =	sadd.s32 s3, s5;
	[dreg:$0x0] =	wrdreg $0x0  }
0x26: {  	s5 =	sshll.u32 s28, $0x1;
	[dreg:$0x2] =	wrdreg s3  }
0x27: {  	[dreg:$0x3] =	wrdreg s5  }
0x28: {  	[dreg:$0x4] =	wrdreg $0xC0  }
0x29: {  	_ =	task [dreg:s7], $0x5FFFF  }
0x2a: {  	[dreg:$0x1] =	wrdreg $0xFFFFFFFF  }
0x2b: {  	[dreg:$0x0] =	wrdreg $0x60  }
0x2c: {  	[dreg:$0x2] =	wrdreg s25  }
0x2d: {  	[dreg:$0x3] =	wrdreg s17  }
0x2e: {  	[dreg:$0x4] =	wrdreg $0x9  }
0x2f: {  	_ =	task.clear_ibuf [dreg:s7], $0x5FFFF;
	_ =	strace $0x90000046  }
0x30: {  	s29 =	simm.s32 $0x9;
	_ =	strace $0x80000048  }
0x31: {  	_ =	swait.ge [sflag:s29], $0x1  }
0x32: {  	[sflag:s29] =	ssyncadd.s32 $0xFFFFFFFF  }
0x33: {  	_ =	strace $0x90000048  }
0x34: {  	_ =	sfence  }
0x35: {  	s30 =	sld [smem:$0x0];
	_ =	sdelay $0x2  }
0x36: {  	s31 =	sshll.u32 s1, $0xD;
	s1 =	sshrl.u32 s1, $0x2  }
0x37: {  	s3 =	sand.u32 $0x4000, s31;
	s1 =	sadd.s32 s1, s30  }
0x38: {  	s0 =	sor.u32 s3, s0;
	s1 =	sshll.u32 s1, $0x11  }
0x39: {  	s0 =	sor.u32 s1, s0  }
0x3a: {  	s0 =	sadd.s32 $0x8F2B, s0  }
0x3b: {  	[sflag:s0] =	ssyncadd.remote.s32 $0x1  }
0x3c: {  	_ =	sfence.sel $0xFFFF  }
0x3d: {  	[dreg:$0x0] =	wrdreg $0xFFFFFFFF;
	(pc) =	sbr.abs _section_cstart, $3  }
0x3e: {  	[dreg:$0x1] =	wrdreg $0xFFFFFFFF  }
0x3f: {  	_ =	task.clear_ibuf [dreg:s7], $0x2FFFF;
	_ =	strace $0x9FFFFFFF  }
0x40: {  	(tm) =	ssettm $0x7FFFFFFF  }
0x41: {  	_ =	shalt  }
tec
execute0_lowered:
.L_overlay_start_1:
0x0: {  	(tag) =	ssettag $0x1  }
0x1: {  	s0 =	srdreg.scid  }
0x2: {  	s1 =	sshll.u32 s0, $0x4  }
0x3: {  	s0 =	stileid.u32;
	s1 =	sand.u32 $0x10, s1  }
0x4: {  	s6 =	rddreg [dreg:$0x0];
	s1 =	sor.u32 s0, s1  }
0x5: {  	s4 =	simm.s32 $0x1;
	s7 =	simm.s32 $0x2;
	s2 =	sshll.u32 s1, $0x5  }
0x6: {  	s14 =	simm.s32 $0x0;
	s8 =	simm.s32 $0x1000;
	s1 =	ssub.s32 $0x4000, s2  }
0x7: {  	s9 =	simm.s32 $0x200000;
	s10 =	simm.s32 $0x0;
	s3 =	sand.u32 $0x3E0, s1  }
0x8: {  	s15 =	simm.s32 $0x0;
	s5 =	sshrl.u32 s1, $0xA;
	p0 =	sne.s32 s3, $0x0  }
.Ltmp0:
0x9: {  	s1 =	rddreg [dreg:$0x2];
	s4 =	simm.s32 @!p0 $0x0;
	(pc) =	sbr.rel .LBB1_1-.Ltmp0, $4  }
0xa: {  	s11 =	simm.s32 $0x0;
	s3 =	rddreg [dreg:$0x1];
	s5 =	sadd.s32 s4, s5  }
0xb: {  	_ =	strace $0x80000047;
	s4 =	simm.s32 $0x1;
	s5 =	smul.u32 $0x3, s5  }
0xc: {  	s13 =	simm.s32 $0x0;
	s6 =	sadd.s32 $0xF03800, s6;
	[sflag:s4] =	ssyncpa.u1 $0x0  }
0xd: {  	s12 =	smov.u32 s2;
	[sflag:s7] =	ssyncpa.u1 $0x0;
	s7 =	sadd.s32 $0x1, s5  }
.LBB1_7:
0xe: {  	s16 =	sadd.s32 $0x4, s11  }
0xf: {  	s14 =	sadd.s32 $0x400, s12;
	s18 =	smov.u32 s12;
	p1 =	sgt.s32 s16, $0xB  }
0x10: {  	s18 =	smov.u32 @p1 s14  }
0x11: {  	s16 =	simm.s32 @p1 $0x0;
	p1 =	sgt.s32 s18, $0x3FFF  }
0x12: {  	s18 =	smov.u32 @p1 s2;
	p1 =	sne.s32 s13, s7  }
.Ltmp1:
0x13: {  	p0 =	slt.u32 s13, $0x2;
	(pc) =	sbr.rel @!p1 .LBB1_8-.Ltmp1, $4  }
0x14: {  	s17 =	simm.s32 @!p0 $0x2  }
0x15: {  	s15 =	smov.u32 s12;
	s10 =	sadd.s32 $0x4000, s10;
	_ =	swait.ge @!p0 [sflag:s17], $0x4000  }
0x16: {  	s14 =	smov.u32 s11;
	[sflag:s17] =	ssyncset.done @!p0 $0x0;
	s11 =	smov.u32 s16  }
0x17: {  	s13 =	sadd.s32 $0x1, s13;
	[sflag:s17] =	ssyncadd.s32 @!p0 $0xFFFFC000;
	s12 =	smov.u32 s18  }
.LBB1_1:
0x18: {  	p0 =	sge.u32 s13, s5  }
0x19: {  	s31 =	sadd.s32 $0xFFFFFFFF, s13;
	s16 =	sxor.u32 @!p0 $0xFFFFFFFF, s13  }
0x1a: {  	s17 =	sshll.u32 @!p0 s12, $0x8;
	s18 =	sshll.u32 @!p0 s11, $0x4;
	s19 =	simm.s32 @!p0 $0x800  }
0x1b: {  	s16 =	sshll.u32 @!p0 s16, $0xE;
	s18 =	sand.u32 @!p0 $0xF0, s18;
	s17 =	sadd.s32 @!p0 s6, s17  }
0x1c: {  	s16 =	sand.u32 @!p0 $0x4000, s16;
	s17 =	sadd.s32 @!p0 s18, s17;
	s18 =	simm.s32 @!p0 $0x200  }
0x1d: {  	[tilespmem:s16], [sflag:$0x1] =	stream.strided.gather @!p0 [hbm4b:s17+s18], $0x4000, s19, s18, $0x38;
	[tilespmem:$0x10000] =	vst v63  }
0x1e: {  	p0 =	sge.u32 s31, s5  }
.Ltmp2:
0x1f: {  	_ = 	snop;
	(pc) =	sbr.rel @p0 .LBB1_7-.Ltmp2, $1  }
0x20: {  	_ =	sdelay $0x3  }
0x21: {  	s17 =	sand.u32 $0x4000, s10  }
0x22: {  	_ =	swait.ge [sflag:s4], $0x4000;
	s19 =	sshll.u32 s13, $0xE;
	s16 =	sor.u32 $0x8040, s17  }
0x23: {  	s18 =	sor.u32 $0x40, s17;
	[sflag:s4] =	ssyncset.done $0x0;
	s31 =	sand.u32 $0x4000, s19  }
0x24: {  	s19 =	simm.s32 $0x0;
	[sflag:s4] =	ssyncadd.s32 $0xFFFFC000;
	s17 =	sor.u32 $0x8000, s31  }
.LBB1_3:
0x25: {  	v0 =	vmov s18;
	_ =	sdelay $0x3  }
0x26: {  	s21 =	simm.s32 $0x0  }
0x27: {  	v6 =	vld.idx.msk [tilespmem:v0+s21+$0x30 ss:$0x1], $0xffff  }
0x28: {  	v7 =	vld.idx.msk [tilespmem:v0+s21+$0xFFFFFFC0 ss:$0x1], $0xffff  }
0x29: {  	v5 =	vld.idx.msk [tilespmem:v0+s21+$0xFFFFFFD0 ss:$0x1], $0xffff  }
0x2a: {  	v4 =	vld.idx.msk [tilespmem:v0+s21+$0xFFFFFFE0 ss:$0x1], $0xffff  }
0x2b: {  	v3 =	vld.idx.msk [tilespmem:v0+s21+$0xFFFFFFF0 ss:$0x1], $0xffff  }
0x2c: {  	v1 =	vld.idx.msk [tilespmem:v0+s21+$0x0 ss:$0x1], $0xffff  }
0x2d: {  	v2 =	vld.idx.msk [tilespmem:v0+s21+$0x10 ss:$0x1], $0xffff;
	[tilespmem:s16+$0x30] =	vst v6  }
0x2e: {  	s20 =	simm.s32 $0x80;
	s22 =	simm.s32 $0x400;
	[tilespmem:s16+$0xFFFFFFC0] =	vst v7;
	v6 =	vld.idx.msk [tilespmem:v0+s21+$0x20 ss:$0x1], $0xffff;
	s21 =	smov.u32 s16  }
.LBB1_4:
0x2f: {  	p0 =	sne.s32 s22, $0x600;
	v7 =	vld.idx.msk [tilespmem:v0+s20+$0x30 ss:$0x1], $0xffff;
	[tilespmem:s21+$0xFFFFFFD0] =	vst v5  }
0x30: {  	v8 =	vld.idx.msk [tilespmem:v0+s20+$0xFFFFFFC0 ss:$0x1], $0xffff;
	[tilespmem:s21+$0xFFFFFFE0] =	vst v4  }
0x31: {  	v5 =	vld.idx.msk [tilespmem:v0+s20+$0xFFFFFFD0 ss:$0x1], $0xffff;
	[tilespmem:s21+$0xFFFFFFF0] =	vst v3  }
.Ltmp3:
0x32: {  	v4 =	vld.idx.msk [tilespmem:v0+s20+$0xFFFFFFE0 ss:$0x1], $0xffff;
	[tilespmem:s21+$0x0] =	vst v1;
	(pc) =	sbr.rel @p0 .LBB1_4-.Ltmp3, $4  }
0x33: {  	v3 =	vld.idx.msk [tilespmem:v0+s20+$0xFFFFFFF0 ss:$0x1], $0xffff;
	[tilespmem:s21+$0x10] =	vst v2  }
0x34: {  	v1 =	vld.idx.msk [tilespmem:v0+s20+$0x0 ss:$0x1], $0xffff;
	[tilespmem:s21+$0x20] =	vst v6;
	s21 =	sadd.s32 $0x1000, s21  }
0x35: {  	v2 =	vld.idx.msk [tilespmem:v0+s20+$0x10 ss:$0x1], $0xffff;
	[tilespmem:s21+$0x30] =	vst v7  }
0x36: {  	[tilespmem:s21+$0xFFFFFFC0] =	vst v8;
	v6 =	vld.idx.msk [tilespmem:v0+s20+$0x20 ss:$0x1], $0xffff;
	s20 =	sshra.s32 s22, $0x2;
	s22 =	sadd.s32 $0x200, s22  }
0x37: {  	_ =	sdelay $0x2  }
0x38: {  	[tilespmem:s21+$0xFFFFFFD0] =	vst v5  }
0x39: {  	v56 =	vld.idx.msk [tilespmem:v0+s20+$0x30 ss:$0x1], $0xffff;
	[tilespmem:s21+$0xFFFFFFE0] =	vst v4  }
0x3a: {  	v57 =	vld.idx.msk [tilespmem:v0+s20+$0xFFFFFFC0 ss:$0x1], $0xffff;
	[tilespmem:s21+$0xFFFFFFF0] =	vst v3  }
0x3b: {  	v58 =	vld.idx.msk [tilespmem:v0+s20+$0xFFFFFFD0 ss:$0x1], $0xffff;
	[tilespmem:s21+$0x0] =	vst v1  }
0x3c: {  	v59 =	vld.idx.msk [tilespmem:v0+s20+$0xFFFFFFE0 ss:$0x1], $0xffff;
	[tilespmem:s21+$0x10] =	vst v2  }
0x3d: {  	v60 =	vld.idx.msk [tilespmem:v0+s20+$0xFFFFFFF0 ss:$0x1], $0xffff;
	s31 =	sadd.s32 $0x1000, s21;
	[tilespmem:s21+$0x20] =	vst v6  }
0x3e: {  	v61 =	vld.idx.msk [tilespmem:v0+s20+$0x0 ss:$0x1], $0xffff;
	[tilespmem:s31+$0x30] =	vst v56  }
0x3f: {  	v62 =	vld.idx.msk [tilespmem:v0+s20+$0x10 ss:$0x1], $0xffff;
	s19 =	sadd.s32 $0x1, s19;
	[tilespmem:s31+$0xFFFFFFC0] =	vst v57  }
0x40: {  	v63 =	vld.idx.msk [tilespmem:v0+s20+$0x20 ss:$0x1], $0xffff;
	p0 =	sne.s32 s19, $0x20;
	[tilespmem:s31+$0xFFFFFFD0] =	vst v58  }
.Ltmp4:
0x41: {  	[tilespmem:s31+$0xFFFFFFE0] =	vst v59;
	(pc) =	sbr.rel @p0 .LBB1_3-.Ltmp4, $4  }
0x42: {  	[tilespmem:s31+$0xFFFFFFF0] =	vst v60  }
0x43: {  	[tilespmem:s31+$0x0] =	vst v61  }
0x44: {  	[tilespmem:s31+$0x10] =	vst v62  }
0x45: {  	s16 =	sadd.s32 $0x80, s16;
	s18 =	sadd.s32 $0x200, s18;
	[tilespmem:s31+$0x20] =	vst v63  }
.Ltmp5:
0x46: {  	s15 =	sshll.u32 s15, $0x4;
	(pc) =	sbr.rel .LBB1_7-.Ltmp5, $4  }
0x47: {  	s15 =	sand.u32 $0x3FFF0, s15  }
0x48: {  	s14 =	sshll.u32 s14, $0x12;
	s15 =	sadd.s32 s3, s15  }
0x49: {  	s14 =	sadd.s32 s14, s15  }
0x4a: {  	[hbm4b:s14+s8] =	stream.strided.scatter [tilespmem:s17], [sflag:$0x2], $0x4000, s9, s8, $0x38;
	[tilespmem:$0x10000] =	vst v63  }
.LBB1_8:
0x4b: {  	_ =	sfence.sel $0x180000  }
0x4c: {  	s2 =	simm.s32 $0x1;
	[bflag:$0x0] =	sbarrier.arrive $0xFFFF  }
0x4d: {  	s31 =	simm.s32 $0x2;
	[sflag:s2] =	ssyncpa.u1 $0x1  }
0x4e: {  	[sflag:s31] =	ssyncpa.u1 $0x1  }
0x4f: {  	p0 =	sne.s32 s0, $0x0;
	_ =	strace $0x90000047  }
0x50: {  	s0 =	sadd.s32 @!p0 $0x100000, s1;
	[bflag:$0x2] =	sbarrier.arrive $0xFFFF  }
0x51: {  	[sflag:s0] =	ssyncadd.tile.s32 @!p0 $0x1;
	_ =	shalt  }
.Lfunc_end1:
_tile_overlayer_lowered:
.L_overlay_start_2:
0x52: {  	(tag) =	ssettag $0x2  }
0x53: {  	s0 =	rddreg [dreg:$0x0];
	s2 =	stileid.u32  }
0x54: {  	s1 =	rddreg [dreg:$0x1];
	p0 =	sne.s32 s2, $0x0  }
0x55: {  	s3 =	rddreg [dreg:$0x2];
	[bflag:$0x3] =	sbarrier.arrive $0xFFFF;
	s2 =	simm.s32 @!p0 $0x1C01  }
0x56: {  	[timem:s3], [sflag:s2] =	dma.local @!p0 [hbm:s0], s1  }
0x57: {  	s0 =	simm.s32 @!p0 $0x1  }
0x58: {  	_ =	swait.ge @!p0 [sflag:s0], s1  }
0x59: {  	s1 =	ssub.s32 @!p0 $0x0, s1;
	[sflag:s0] =	ssyncset.done @!p0 $0x0  }
0x5a: {  	[sflag:s0] =	ssyncadd.s32 @!p0 s1  }
0x5b: {  	[bflag:$0x3] =	sbarrier.arrive $0xFFFF  }
0x5c: {  	_ =	shalt  }

</sc_bundles>
